<compile_context>
chip_gen: v7x
topology: tpu7x:2x2x1
jax: 0.10.2.dev20260603
libtpu: 0.0.44.dev20260713+nightly
codegen_flags: <defaults>
</compile_context>

<pallas_src>
import functools

import jax
import jax.numpy as jnp
from jax import lax
from jax.experimental import pallas as pl
from jax.experimental.pallas import tpu as pltpu
from jax.experimental.pallas import tpu_sc as plsc

TOK_BLK = 1024
NCHUNK = 4


def _bf16_rne(v):
    u = lax.bitcast_convert_type(v, jnp.uint32)
    lsb = (u >> 16) & jnp.uint32(1)
    u = (u + (jnp.uint32(0x7FFF) + lsb)) & jnp.uint32(0xFFFF0000)
    return lax.bitcast_convert_type(u, jnp.float32)


def _nn_kernel(z_ref, w_ref, xsq_ref, wsq_ref, idx_ref):
    zb = z_ref[...]
    wb = w_ref[...]
    x_sq = xsq_ref[...]
    w_sq = wsq_ref[...]
    dot = lax.dot_general(zb, wb, (((1,), (1,)), ((), ())),
                          preferred_element_type=jnp.float32)
    d2 = x_sq - 2.0 * dot + w_sq
    dist = jnp.sqrt(jnp.maximum(d2, 0.0))
    k_total = dist.shape[1]
    chunk = k_total // NCHUNK
    accv = acci = None
    for c in range(NCHUNK):
        dc = dist[:, c * chunk:(c + 1) * chunk]
        m = jnp.min(dc, axis=1)
        iota = lax.broadcasted_iota(jnp.int32, dc.shape, 1) + jnp.int32(c * chunk)
        i = jnp.min(jnp.where(dc == m[:, None], iota, jnp.int32(k_total)), axis=1)
        if accv is None:
            accv, acci = _bf16_rne(m), i
        else:
            new_wins = (m < accv) | ((m == accv) & (i < acci))
            accv = _bf16_rne(jnp.where(new_wins, m, accv))
            acci = jnp.where(new_wins, i, acci)
    idx_ref[0, 0, :] = acci


def _nearest_codes(flat, codebook, x_sq, w_sq):
    n, c = flat.shape
    grid = n // TOK_BLK
    out = pl.pallas_call(
        _nn_kernel,
        grid=(grid,),
        in_specs=[
            pl.BlockSpec((TOK_BLK, c), lambda i: (i, 0)),
            pl.BlockSpec(codebook.shape, lambda i: (0, 0)),
            pl.BlockSpec((TOK_BLK, 1), lambda i: (i, 0)),
            pl.BlockSpec(w_sq.shape, lambda i: (0, 0)),
        ],
        out_specs=pl.BlockSpec((1, 1, TOK_BLK), lambda i: (i, 0, 0)),
        out_shape=jax.ShapeDtypeStruct((grid, 1, TOK_BLK), jnp.int32),
        compiler_params=pltpu.CompilerParams(
            dimension_semantics=("parallel",)),
    )(flat, codebook, x_sq, w_sq)
    return out.reshape(n)


def _sc_gather(table, idx):
    info = plsc.get_sparse_core_info()
    nw = info.num_cores * info.num_subcores
    b, d = idx.shape[0], table.shape[1]
    b_per_w = b // nw
    mesh = plsc.VectorSubcoreMesh(core_axis_name="c", subcore_axis_name="s")

    g = 128
    @functools.partial(
        pl.kernel, mesh=mesh,
        out_type=jax.ShapeDtypeStruct((b, d), jnp.float32),
        compiler_params=pltpu.CompilerParams(use_tc_tiling_on_sc=False),
        scratch_types=[
            pltpu.VMEM((g,), jnp.int32),
            pltpu.VMEM((g, d), jnp.float32),
            pltpu.SemaphoreType.DMA,
        ],
    )
    def gather_k(table_hbm, idx_hbm, out_hbm, idx_v, rows_v, sem):
        wid = lax.axis_index("s") * info.num_cores + lax.axis_index("c")
        base = wid * b_per_w
        for h in range(b_per_w // g):
            off = base + h * g
            pltpu.sync_copy(idx_hbm.at[pl.ds(off, g)], idx_v)
            pltpu.async_copy(table_hbm.at[idx_v], rows_v, sem).wait()
            pltpu.sync_copy(rows_v, out_hbm.at[pl.ds(off, g)])

    return gather_k(table, idx)


def kernel(z_e, W):
    b, c, h, w = z_e.shape
    z = jnp.transpose(z_e, (0, 2, 3, 1))
    flat = z.reshape(-1, c)
    x_sq = jnp.sum(flat * flat, axis=1, keepdims=True)
    w_sq = jnp.sum(W * W, axis=1)[None, :]
    idx = _nearest_codes(flat, W, x_sq, w_sq)
    zq_flat = _sc_gather(W, idx)
    z_q = zq_flat.reshape(b, h, w, c)
    z_q_st = z + (z_q - z)
    z_q_out = jnp.transpose(z_q, (0, 3, 1, 2))
    z_q_st_out = jnp.transpose(z_q_st, (0, 3, 1, 2))
    return (z_q_st_out, z_q_out, idx.reshape(b, h * w))

# --- scband reference (transcript-rebuilt; emitter-appended) ---
"""Pipeline reference for scband-vector-quant-straight-through-7679401525798 (READ-ONLY COPY).

The authoritative reference and input builder live on the scoring server;
editing this copy changes nothing except your own understanding.
"""

import jax, jax.numpy as jnp
import numpy as np

K_CODES = 8192
D_CODE = 32

def setup_inputs(seed: int = 0) -> dict:
    key = jax.random.key(seed)
    k1, k2 = jax.random.split(key)
    z_e = jax.random.normal(k1, (8, 32, 32, 32), dtype=jnp.float32)
    W = jax.random.uniform(k2, (K_CODES, D_CODE), minval=-1.0 / K_CODES, maxval=1.0 / K_CODES, dtype=jnp.float32)
    return {"z_e": z_e, "W": W}

def reference(z_e, W):
    # z_e: [B, C, H, W] -> [B, H, W, C]
    z = jnp.transpose(z_e, (0, 2, 3, 1))
    B, Hh, Ww, C = z.shape
    flat = z.reshape(-1, C)
    # torch.cdist (p=2 euclidean) between flat [N, C] and codebook W [K, C]
    x_sq = jnp.sum(flat * flat, axis=1, keepdims=True)
    w_sq = jnp.sum(W * W, axis=1)[None, :]
    d2 = x_sq - 2.0 * (flat @ W.T) + w_sq
    dist = jnp.sqrt(jnp.maximum(d2, 0.0))
    indices = jnp.argmin(dist, axis=1)
    # embedding lookup (gather)
    z_q = jnp.take(W, indices, axis=0).reshape(z.shape)
    # straight-through estimator
    z_q_st = z + jax.lax.stop_gradient(z_q - z)
    z_q_out = jnp.transpose(z_q, (0, 3, 1, 2))
    z_q_st_out = jnp.transpose(z_q_st, (0, 3, 1, 2))
    return (z_q_st_out, z_q_out, indices.reshape(B, Hh * Ww))

if __name__ == "__main__":
    import jax
    _d = setup_inputs()
    print(jax.jit(kernel)(*tuple(_d.values())))

</pallas_src>

<mosaic_0001>
#map = affine_map<(d0, d1) -> (0, 0)>
#map1 = affine_map<(d0, d1) -> (0)>
module attributes {stable_mosaic.version = 14 : i64} {
  func.func @gather_k(%arg0: i32, %arg1: i32, %arg2: memref<8192x32xf32, #tpu.memory_space<hbm>>, %arg3: memref<8192xi32, #tpu.memory_space<hbm>>, %arg4: memref<8192x32xf32, #tpu.memory_space<hbm>>, %arg5: memref<128xi32, #tpu.memory_space<vmem>>, %arg6: memref<128x32xf32, #tpu.memory_space<vmem>>, %arg7: memref<!tpu.dma_semaphore, #tpu.memory_space<semaphore_mem>>) attributes {dimension_semantics = [#tpu.dimension_semantics<core_parallel>, #tpu.dimension_semantics<subcore_parallel>], iteration_bounds = array<i64: 2, 16>, scalar_prefetch = 0 : i64, scratch_operands = 3 : i64, tpu.core_type = #tpu.core_type<sc_vector_subcore>, window_params = [{transform_indices = #map}, {transform_indices = #map1}, {transform_indices = #map}]} {
    %mul3A = arith.constant 2 : i32
    %mul3A_0 = arith.muli %arg1, %mul3A : i32
    %add3A = arith.addi %mul3A_0, %arg0 : i32
    %mul3A_1 = arith.constant 256 : i32
    %mul3A_2 = arith.muli %add3A, %mul3A_1 : i32
    %add3A_3 = arith.constant 0 : i32
    %add3A_4 = arith.addi %mul3A_2, %add3A_3 : i32
    "tpu.region"() ({
      %run_scoped3A = tpu.sem_alloc : memref<!tpu.dma_semaphore, #tpu.memory_space<semaphore_mem>>
      %dma_start3A_17 = tpu.memref_slice %arg3[%add3A_4] : memref<8192xi32, #tpu.memory_space<hbm>> -> memref<128xi32, #tpu.memory_space<hbm>>
      %dma_start3A_18 = tpu.memref_slice %arg3[%add3A_4] : memref<8192xi32, #tpu.memory_space<hbm>> -> memref<128xi32, #tpu.memory_space<hbm>>
      tpu.enqueue_dma source(%dma_start3A_18 : memref<128xi32, #tpu.memory_space<hbm>>) target(%arg5 : memref<128xi32, #tpu.memory_space<vmem>>) target_semaphore(%run_scoped3A : memref<!tpu.dma_semaphore, #tpu.memory_space<semaphore_mem>>)
      %dma_wait3A_19 = tpu.memref_slice %arg3[%add3A_4] : memref<8192xi32, #tpu.memory_space<hbm>> -> memref<128xi32, #tpu.memory_space<hbm>>
      %dma_wait3A_20 = tpu.memref_slice %arg3[%add3A_4] : memref<8192xi32, #tpu.memory_space<hbm>> -> memref<128xi32, #tpu.memory_space<hbm>>
      tpu.wait_dma2 semaphore(%run_scoped3A : memref<!tpu.dma_semaphore, #tpu.memory_space<semaphore_mem>>) src(%dma_wait3A_20 : memref<128xi32, #tpu.memory_space<hbm>>) dst(%arg5 : memref<128xi32, #tpu.memory_space<vmem>>)
      tpu.yield
    }) : () -> ()
    %dma_start3A = arith.constant 0 : i32
    %dma_start3A_5 = arith.constant 0 : i32
    %dma_start3A_6 = tpu.memref_slice %arg2[%dma_start3A, %dma_start3A_5] : memref<8192x32xf32, #tpu.memory_space<hbm>> -> memref<8192x32xf32, #tpu.memory_space<hbm>>
    tpu.enqueue_indirect_dma source(%dma_start3A_6 : memref<8192x32xf32, #tpu.memory_space<hbm>>) target(%arg6 : memref<128x32xf32, #tpu.memory_space<vmem>>) offsets(%arg5 : memref<128xi32, #tpu.memory_space<vmem>>) semaphore(%arg7 : memref<!tpu.dma_semaphore, #tpu.memory_space<semaphore_mem>>)
    %dma_wait3A = arith.constant 0 : i32
    %dma_wait3A_7 = arith.constant 0 : i32
    %dma_wait3A_8 = tpu.memref_slice %arg2[%dma_wait3A, %dma_wait3A_7] : memref<8192x32xf32, #tpu.memory_space<hbm>> -> memref<8192x32xf32, #tpu.memory_space<hbm>>
    tpu.wait_indirect_dma semaphore(%arg7 : memref<!tpu.dma_semaphore, #tpu.memory_space<semaphore_mem>>) src(%dma_wait3A_8 : memref<8192x32xf32, #tpu.memory_space<hbm>>) dst(%arg6 : memref<128x32xf32, #tpu.memory_space<vmem>>)
    "tpu.region"() ({
      %run_scoped3A = tpu.sem_alloc : memref<!tpu.dma_semaphore, #tpu.memory_space<semaphore_mem>>
      %dma_start3A_17 = arith.constant 0 : i32
      %dma_start3A_18 = tpu.memref_slice %arg4[%add3A_4, %dma_start3A_17] : memref<8192x32xf32, #tpu.memory_space<hbm>> -> memref<128x32xf32, #tpu.memory_space<hbm>>
      %dma_start3A_19 = arith.constant 0 : i32
      %dma_start3A_20 = tpu.memref_slice %arg4[%add3A_4, %dma_start3A_19] : memref<8192x32xf32, #tpu.memory_space<hbm>> -> memref<128x32xf32, #tpu.memory_space<hbm>>
      tpu.enqueue_dma source(%arg6 : memref<128x32xf32, #tpu.memory_space<vmem>>) target(%dma_start3A_20 : memref<128x32xf32, #tpu.memory_space<hbm>>) target_semaphore(%run_scoped3A : memref<!tpu.dma_semaphore, #tpu.memory_space<semaphore_mem>>)
      %dma_wait3A_21 = arith.constant 0 : i32
      %dma_wait3A_22 = tpu.memref_slice %arg4[%add3A_4, %dma_wait3A_21] : memref<8192x32xf32, #tpu.memory_space<hbm>> -> memref<128x32xf32, #tpu.memory_space<hbm>>
      %dma_wait3A_23 = arith.constant 0 : i32
      %dma_wait3A_24 = tpu.memref_slice %arg4[%add3A_4, %dma_wait3A_23] : memref<8192x32xf32, #tpu.memory_space<hbm>> -> memref<128x32xf32, #tpu.memory_space<hbm>>
      tpu.wait_dma2 semaphore(%run_scoped3A : memref<!tpu.dma_semaphore, #tpu.memory_space<semaphore_mem>>) src(%arg6 : memref<128x32xf32, #tpu.memory_space<vmem>>) dst(%dma_wait3A_24 : memref<128x32xf32, #tpu.memory_space<hbm>>)
      tpu.yield
    }) : () -> ()
    %add3A_9 = arith.constant 128 : i32
    %add3A_10 = arith.addi %mul3A_2, %add3A_9 : i32
    "tpu.region"() ({
      %run_scoped3A = tpu.sem_alloc : memref<!tpu.dma_semaphore, #tpu.memory_space<semaphore_mem>>
      %dma_start3A_17 = tpu.memref_slice %arg3[%add3A_10] : memref<8192xi32, #tpu.memory_space<hbm>> -> memref<128xi32, #tpu.memory_space<hbm>>
      %dma_start3A_18 = tpu.memref_slice %arg3[%add3A_10] : memref<8192xi32, #tpu.memory_space<hbm>> -> memref<128xi32, #tpu.memory_space<hbm>>
      tpu.enqueue_dma source(%dma_start3A_18 : memref<128xi32, #tpu.memory_space<hbm>>) target(%arg5 : memref<128xi32, #tpu.memory_space<vmem>>) target_semaphore(%run_scoped3A : memref<!tpu.dma_semaphore, #tpu.memory_space<semaphore_mem>>)
      %dma_wait3A_19 = tpu.memref_slice %arg3[%add3A_10] : memref<8192xi32, #tpu.memory_space<hbm>> -> memref<128xi32, #tpu.memory_space<hbm>>
      %dma_wait3A_20 = tpu.memref_slice %arg3[%add3A_10] : memref<8192xi32, #tpu.memory_space<hbm>> -> memref<128xi32, #tpu.memory_space<hbm>>
      tpu.wait_dma2 semaphore(%run_scoped3A : memref<!tpu.dma_semaphore, #tpu.memory_space<semaphore_mem>>) src(%dma_wait3A_20 : memref<128xi32, #tpu.memory_space<hbm>>) dst(%arg5 : memref<128xi32, #tpu.memory_space<vmem>>)
      tpu.yield
    }) : () -> ()
    %dma_start3A_11 = arith.constant 0 : i32
    %dma_start3A_12 = arith.constant 0 : i32
    %dma_start3A_13 = tpu.memref_slice %arg2[%dma_start3A_11, %dma_start3A_12] : memref<8192x32xf32, #tpu.memory_space<hbm>> -> memref<8192x32xf32, #tpu.memory_space<hbm>>
    tpu.enqueue_indirect_dma source(%dma_start3A_13 : memref<8192x32xf32, #tpu.memory_space<hbm>>) target(%arg6 : memref<128x32xf32, #tpu.memory_space<vmem>>) offsets(%arg5 : memref<128xi32, #tpu.memory_space<vmem>>) semaphore(%arg7 : memref<!tpu.dma_semaphore, #tpu.memory_space<semaphore_mem>>)
    %dma_wait3A_14 = arith.constant 0 : i32
    %dma_wait3A_15 = arith.constant 0 : i32
    %dma_wait3A_16 = tpu.memref_slice %arg2[%dma_wait3A_14, %dma_wait3A_15] : memref<8192x32xf32, #tpu.memory_space<hbm>> -> memref<8192x32xf32, #tpu.memory_space<hbm>>
    tpu.wait_indirect_dma semaphore(%arg7 : memref<!tpu.dma_semaphore, #tpu.memory_space<semaphore_mem>>) src(%dma_wait3A_16 : memref<8192x32xf32, #tpu.memory_space<hbm>>) dst(%arg6 : memref<128x32xf32, #tpu.memory_space<vmem>>)
    "tpu.region"() ({
      %run_scoped3A = tpu.sem_alloc : memref<!tpu.dma_semaphore, #tpu.memory_space<semaphore_mem>>
      %dma_start3A_17 = arith.constant 0 : i32
      %dma_start3A_18 = tpu.memref_slice %arg4[%add3A_10, %dma_start3A_17] : memref<8192x32xf32, #tpu.memory_space<hbm>> -> memref<128x32xf32, #tpu.memory_space<hbm>>
      %dma_start3A_19 = arith.constant 0 : i32
      %dma_start3A_20 = tpu.memref_slice %arg4[%add3A_10, %dma_start3A_19] : memref<8192x32xf32, #tpu.memory_space<hbm>> -> memref<128x32xf32, #tpu.memory_space<hbm>>
      tpu.enqueue_dma source(%arg6 : memref<128x32xf32, #tpu.memory_space<vmem>>) target(%dma_start3A_20 : memref<128x32xf32, #tpu.memory_space<hbm>>) target_semaphore(%run_scoped3A : memref<!tpu.dma_semaphore, #tpu.memory_space<semaphore_mem>>)
      %dma_wait3A_21 = arith.constant 0 : i32
      %dma_wait3A_22 = tpu.memref_slice %arg4[%add3A_10, %dma_wait3A_21] : memref<8192x32xf32, #tpu.memory_space<hbm>> -> memref<128x32xf32, #tpu.memory_space<hbm>>
      %dma_wait3A_23 = arith.constant 0 : i32
      %dma_wait3A_24 = tpu.memref_slice %arg4[%add3A_10, %dma_wait3A_23] : memref<8192x32xf32, #tpu.memory_space<hbm>> -> memref<128x32xf32, #tpu.memory_space<hbm>>
      tpu.wait_dma2 semaphore(%run_scoped3A : memref<!tpu.dma_semaphore, #tpu.memory_space<semaphore_mem>>) src(%arg6 : memref<128x32xf32, #tpu.memory_space<vmem>>) dst(%dma_wait3A_24 : memref<128x32xf32, #tpu.memory_space<hbm>>)
      tpu.yield
    }) : () -> ()
    return
  }
}

module attributes {stable_mosaic.version = 14 : i64} {
  func.func @_nn_kernel(%arg0: i32, %arg1: memref<1024x32xf32, #tpu.memory_space<vmem>>, %arg2: memref<8192x32xf32, #tpu.memory_space<vmem>>, %arg3: memref<1024x1xf32, #tpu.memory_space<vmem>>, %arg4: memref<1x8192xf32, #tpu.memory_space<vmem>>, %arg5: memref<1x1x1024xi32, #tpu.memory_space<vmem>>) attributes {dimension_semantics = [#tpu.dimension_semantics<parallel>], iteration_bounds = array<i64: 8>, scalar_prefetch = 0 : i64, scratch_operands = 0 : i64, tpu.core_type = #tpu.core_type<tc>, window_params = [{transform_indices = @transform_0, window_bounds = array<i64: 1024, 32>}, {pipeline_mode = #tpu.pipeline_mode<synchronous>, transform_indices = @transform_1, window_bounds = array<i64: 8192, 32>}, {transform_indices = @transform_2, window_bounds = array<i64: 1024, 1>}, {pipeline_mode = #tpu.pipeline_mode<synchronous>, transform_indices = @transform_3, window_bounds = array<i64: 1, 8192>}, {transform_indices = @transform_4, window_bounds = array<i64: 1, 1, 1024>}]} {
    %get3A = arith.constant 0 : index
    %get3A_0 = arith.constant 0 : index
    %get3A_1 = vector.load %arg1[%get3A, %get3A_0] : memref<1024x32xf32, #tpu.memory_space<vmem>>, vector<1024x32xf32>
    %get3A_2 = arith.constant 0 : index
    %get3A_3 = arith.constant 0 : index
    %get3A_4 = vector.load %arg2[%get3A_2, %get3A_3] : memref<8192x32xf32, #tpu.memory_space<vmem>>, vector<8192x32xf32>
    %get3A_5 = arith.constant 0 : index
    %get3A_6 = arith.constant 0 : index
    %get3A_7 = vector.load %arg3[%get3A_5, %get3A_6] : memref<1024x1xf32, #tpu.memory_space<vmem>>, vector<1024x1xf32>
    %get3A_8 = arith.constant 0 : index
    %get3A_9 = arith.constant 0 : index
    %get3A_10 = vector.load %arg4[%get3A_8, %get3A_9] : memref<1x8192xf32, #tpu.memory_space<vmem>>, vector<1x8192xf32>
    %dot_general3A = arith.constant dense<0.000000e+00> : vector<1024x8192xf32>
    %dot_general3A_11 = tpu.matmul %get3A_1, %get3A_4, %dot_general3A {dimension_numbers = #tpu.dot_dimension_numbers<[1], [1], [0], [0], [0, 0, 1, 0], [], []>, transpose_lhs_hint = false} : vector<1024x32xf32>, vector<8192x32xf32>, vector<1024x8192xf32> -> vector<1024x8192xf32>
    %mul3A = arith.constant 2.000000e+00 : f32
    %mul3A_12 = vector.broadcast %mul3A : f32 to vector<1024x8192xf32>
    %mul3A_13 = arith.mulf %mul3A_12, %dot_general3A_11 : vector<1024x8192xf32>
    %sub3A = vector.broadcast %get3A_7 : vector<1024x1xf32> to vector<1024x8192xf32>
    %sub3A_14 = arith.subf %sub3A, %mul3A_13 : vector<1024x8192xf32>
    %add3A = vector.broadcast %get3A_10 : vector<1x8192xf32> to vector<1024x8192xf32>
    %add3A_15 = arith.addf %sub3A_14, %add3A : vector<1024x8192xf32>
    %max3A = arith.constant 0.000000e+00 : f32
    %max3A_16 = vector.broadcast %max3A : f32 to vector<1024x8192xf32>
    %max3A_17 = arith.maximumf %add3A_15, %max3A_16 : vector<1024x8192xf32>
    %sqrt3A = math.sqrt %max3A_17 : vector<1024x8192xf32>
    %slice3A = vector.extract_strided_slice %sqrt3A {offsets = [0, 0], sizes = [1024, 2048], strides = [1, 1]} : vector<1024x8192xf32> to vector<1024x2048xf32>
    %reduce_min3A = arith.constant dense<0x7F800000> : vector<1024xf32>
    %reduce_min3A_18 = vector.multi_reduction <minimumf>, %slice3A, %reduce_min3A [1] : vector<1024x2048xf32> to vector<1024xf32>
    %iota3A = tpu.iota {dimensions = array<i32: 1>} : vector<1024x2048xi32>
    %add3A_19 = arith.constant 0 : i32
    %add3A_20 = vector.broadcast %add3A_19 : i32 to vector<1024x2048xi32>
    %add3A_21 = arith.addi %iota3A, %add3A_20 : vector<1024x2048xi32>
    %broadcast_in_dim3A = vector.shape_cast %reduce_min3A_18 : vector<1024xf32> to vector<1024x1xf32>
    %eq3A = vector.broadcast %broadcast_in_dim3A : vector<1024x1xf32> to vector<1024x2048xf32>
    %eq3A_22 = arith.cmpf oeq, %slice3A, %eq3A : vector<1024x2048xf32>
    %jit3A = arith.constant 8192 : i32
    %broadcast_in_dim3A_23 = vector.broadcast %jit3A : i32 to vector<1024x2048xi32>
    %select_n3A = arith.select %eq3A_22, %add3A_21, %broadcast_in_dim3A_23 : vector<1024x2048xi1>, vector<1024x2048xi32>
    %reduce_min3A_24 = arith.constant dense<2147483647> : vector<1024xi32>
    %reduce_min3A_25 = vector.multi_reduction <minsi>, %select_n3A, %reduce_min3A_24 [1] : vector<1024x2048xi32> to vector<1024xi32>
    %bitcast_convert_type3A = tpu.bitcast %reduce_min3A_18 : vector<1024xf32> -> vector<1024xi32>
    %shift_right_logical3A = arith.constant 16 : i32
    %shift_right_logical3A_26 = vector.broadcast %shift_right_logical3A : i32 to vector<1024xi32>
    %shift_right_logical3A_27 = arith.shrui %bitcast_convert_type3A, %shift_right_logical3A_26 : vector<1024xi32>
    %and3A = arith.constant 1 : i32
    %and3A_28 = vector.broadcast %and3A : i32 to vector<1024xi32>
    %and3A_29 = arith.andi %shift_right_logical3A_27, %and3A_28 : vector<1024xi32>
    %add3A_30 = arith.constant 32767 : i32
    %add3A_31 = vector.broadcast %add3A_30 : i32 to vector<1024xi32>
    %add3A_32 = arith.addi %add3A_31, %and3A_29 : vector<1024xi32>
    %add3A_33 = arith.addi %bitcast_convert_type3A, %add3A_32 : vector<1024xi32>
    %and3A_34 = arith.constant -65536 : i32
    %and3A_35 = vector.broadcast %and3A_34 : i32 to vector<1024xi32>
    %and3A_36 = arith.andi %add3A_33, %and3A_35 : vector<1024xi32>
    %bitcast_convert_type3A_37 = tpu.bitcast %and3A_36 : vector<1024xi32> -> vector<1024xf32>
    %slice3A_38 = vector.extract_strided_slice %sqrt3A {offsets = [0, 2048], sizes = [1024, 2048], strides = [1, 1]} : vector<1024x8192xf32> to vector<1024x2048xf32>
    %reduce_min3A_39 = arith.constant dense<0x7F800000> : vector<1024xf32>
    %reduce_min3A_40 = vector.multi_reduction <minimumf>, %slice3A_38, %reduce_min3A_39 [1] : vector<1024x2048xf32> to vector<1024xf32>
    %iota3A_41 = tpu.iota {dimensions = array<i32: 1>} : vector<1024x2048xi32>
    %add3A_42 = arith.constant 2048 : i32
    %add3A_43 = vector.broadcast %add3A_42 : i32 to vector<1024x2048xi32>
    %add3A_44 = arith.addi %iota3A_41, %add3A_43 : vector<1024x2048xi32>
    %broadcast_in_dim3A_45 = vector.shape_cast %reduce_min3A_40 : vector<1024xf32> to vector<1024x1xf32>
    %eq3A_46 = vector.broadcast %broadcast_in_dim3A_45 : vector<1024x1xf32> to vector<1024x2048xf32>
    %eq3A_47 = arith.cmpf oeq, %slice3A_38, %eq3A_46 : vector<1024x2048xf32>
    %jit3A_48 = arith.constant 8192 : i32
    %broadcast_in_dim3A_49 = vector.broadcast %jit3A_48 : i32 to vector<1024x2048xi32>
    %select_n3A_50 = arith.select %eq3A_47, %add3A_44, %broadcast_in_dim3A_49 : vector<1024x2048xi1>, vector<1024x2048xi32>
    %reduce_min3A_51 = arith.constant dense<2147483647> : vector<1024xi32>
    %reduce_min3A_52 = vector.multi_reduction <minsi>, %select_n3A_50, %reduce_min3A_51 [1] : vector<1024x2048xi32> to vector<1024xi32>
    %lt3A = arith.cmpf olt, %reduce_min3A_40, %bitcast_convert_type3A_37 : vector<1024xf32>
    %eq3A_53 = arith.cmpf oeq, %reduce_min3A_40, %bitcast_convert_type3A_37 : vector<1024xf32>
    %lt3A_54 = arith.cmpi slt, %reduce_min3A_52, %reduce_min3A_25 : vector<1024xi32>
    %and3A_55 = arith.andi %eq3A_53, %lt3A_54 : vector<1024xi1>
    %or3A = arith.ori %lt3A, %and3A_55 : vector<1024xi1>
    %select_n3A_56 = arith.select %or3A, %reduce_min3A_40, %bitcast_convert_type3A_37 : vector<1024xi1>, vector<1024xf32>
    %bitcast_convert_type3A_57 = tpu.bitcast %select_n3A_56 : vector<1024xf32> -> vector<1024xi32>
    %shift_right_logical3A_58 = arith.constant 16 : i32
    %shift_right_logical3A_59 = vector.broadcast %shift_right_logical3A_58 : i32 to vector<1024xi32>
    %shift_right_logical3A_60 = arith.shrui %bitcast_convert_type3A_57, %shift_right_logical3A_59 : vector<1024xi32>
    %and3A_61 = arith.constant 1 : i32
    %and3A_62 = vector.broadcast %and3A_61 : i32 to vector<1024xi32>
    %and3A_63 = arith.andi %shift_right_logical3A_60, %and3A_62 : vector<1024xi32>
    %add3A_64 = arith.constant 32767 : i32
    %add3A_65 = vector.broadcast %add3A_64 : i32 to vector<1024xi32>
    %add3A_66 = arith.addi %add3A_65, %and3A_63 : vector<1024xi32>
    %add3A_67 = arith.addi %bitcast_convert_type3A_57, %add3A_66 : vector<1024xi32>
    %and3A_68 = arith.constant -65536 : i32
    %and3A_69 = vector.broadcast %and3A_68 : i32 to vector<1024xi32>
    %and3A_70 = arith.andi %add3A_67, %and3A_69 : vector<1024xi32>
    %bitcast_convert_type3A_71 = tpu.bitcast %and3A_70 : vector<1024xi32> -> vector<1024xf32>
    %select_n3A_72 = arith.select %or3A, %reduce_min3A_52, %reduce_min3A_25 : vector<1024xi1>, vector<1024xi32>
    %slice3A_73 = vector.extract_strided_slice %sqrt3A {offsets = [0, 4096], sizes = [1024, 2048], strides = [1, 1]} : vector<1024x8192xf32> to vector<1024x2048xf32>
    %reduce_min3A_74 = arith.constant dense<0x7F800000> : vector<1024xf32>
    %reduce_min3A_75 = vector.multi_reduction <minimumf>, %slice3A_73, %reduce_min3A_74 [1] : vector<1024x2048xf32> to vector<1024xf32>
    %iota3A_76 = tpu.iota {dimensions = array<i32: 1>} : vector<1024x2048xi32>
    %add3A_77 = arith.constant 4096 : i32
    %add3A_78 = vector.broadcast %add3A_77 : i32 to vector<1024x2048xi32>
    %add3A_79 = arith.addi %iota3A_76, %add3A_78 : vector<1024x2048xi32>
    %broadcast_in_dim3A_80 = vector.shape_cast %reduce_min3A_75 : vector<1024xf32> to vector<1024x1xf32>
    %eq3A_81 = vector.broadcast %broadcast_in_dim3A_80 : vector<1024x1xf32> to vector<1024x2048xf32>
    %eq3A_82 = arith.cmpf oeq, %slice3A_73, %eq3A_81 : vector<1024x2048xf32>
    %jit3A_83 = arith.constant 8192 : i32
    %broadcast_in_dim3A_84 = vector.broadcast %jit3A_83 : i32 to vector<1024x2048xi32>
    %select_n3A_85 = arith.select %eq3A_82, %add3A_79, %broadcast_in_dim3A_84 : vector<1024x2048xi1>, vector<1024x2048xi32>
    %reduce_min3A_86 = arith.constant dense<2147483647> : vector<1024xi32>
    %reduce_min3A_87 = vector.multi_reduction <minsi>, %select_n3A_85, %reduce_min3A_86 [1] : vector<1024x2048xi32> to vector<1024xi32>
    %lt3A_88 = arith.cmpf olt, %reduce_min3A_75, %bitcast_convert_type3A_71 : vector<1024xf32>
    %eq3A_89 = arith.cmpf oeq, %reduce_min3A_75, %bitcast_convert_type3A_71 : vector<1024xf32>
    %lt3A_90 = arith.cmpi slt, %reduce_min3A_87, %select_n3A_72 : vector<1024xi32>
    %and3A_91 = arith.andi %eq3A_89, %lt3A_90 : vector<1024xi1>
    %or3A_92 = arith.ori %lt3A_88, %and3A_91 : vector<1024xi1>
    %select_n3A_93 = arith.select %or3A_92, %reduce_min3A_75, %bitcast_convert_type3A_71 : vector<1024xi1>, vector<1024xf32>
    %bitcast_convert_type3A_94 = tpu.bitcast %select_n3A_93 : vector<1024xf32> -> vector<1024xi32>
    %shift_right_logical3A_95 = arith.constant 16 : i32
    %shift_right_logical3A_96 = vector.broadcast %shift_right_logical3A_95 : i32 to vector<1024xi32>
    %shift_right_logical3A_97 = arith.shrui %bitcast_convert_type3A_94, %shift_right_logical3A_96 : vector<1024xi32>
    %and3A_98 = arith.constant 1 : i32
    %and3A_99 = vector.broadcast %and3A_98 : i32 to vector<1024xi32>
    %and3A_100 = arith.andi %shift_right_logical3A_97, %and3A_99 : vector<1024xi32>
    %add3A_101 = arith.constant 32767 : i32
    %add3A_102 = vector.broadcast %add3A_101 : i32 to vector<1024xi32>
    %add3A_103 = arith.addi %add3A_102, %and3A_100 : vector<1024xi32>
    %add3A_104 = arith.addi %bitcast_convert_type3A_94, %add3A_103 : vector<1024xi32>
    %and3A_105 = arith.constant -65536 : i32
    %and3A_106 = vector.broadcast %and3A_105 : i32 to vector<1024xi32>
    %and3A_107 = arith.andi %add3A_104, %and3A_106 : vector<1024xi32>
    %bitcast_convert_type3A_108 = tpu.bitcast %and3A_107 : vector<1024xi32> -> vector<1024xf32>
    %select_n3A_109 = arith.select %or3A_92, %reduce_min3A_87, %select_n3A_72 : vector<1024xi1>, vector<1024xi32>
    %slice3A_110 = vector.extract_strided_slice %sqrt3A {offsets = [0, 6144], sizes = [1024, 2048], strides = [1, 1]} : vector<1024x8192xf32> to vector<1024x2048xf32>
    %reduce_min3A_111 = arith.constant dense<0x7F800000> : vector<1024xf32>
    %reduce_min3A_112 = vector.multi_reduction <minimumf>, %slice3A_110, %reduce_min3A_111 [1] : vector<1024x2048xf32> to vector<1024xf32>
    %iota3A_113 = tpu.iota {dimensions = array<i32: 1>} : vector<1024x2048xi32>
    %add3A_114 = arith.constant 6144 : i32
    %add3A_115 = vector.broadcast %add3A_114 : i32 to vector<1024x2048xi32>
    %add3A_116 = arith.addi %iota3A_113, %add3A_115 : vector<1024x2048xi32>
    %broadcast_in_dim3A_117 = vector.shape_cast %reduce_min3A_112 : vector<1024xf32> to vector<1024x1xf32>
    %eq3A_118 = vector.broadcast %broadcast_in_dim3A_117 : vector<1024x1xf32> to vector<1024x2048xf32>
    %eq3A_119 = arith.cmpf oeq, %slice3A_110, %eq3A_118 : vector<1024x2048xf32>
    %jit3A_120 = arith.constant 8192 : i32
    %broadcast_in_dim3A_121 = vector.broadcast %jit3A_120 : i32 to vector<1024x2048xi32>
    %select_n3A_122 = arith.select %eq3A_119, %add3A_116, %broadcast_in_dim3A_121 : vector<1024x2048xi1>, vector<1024x2048xi32>
    %reduce_min3A_123 = arith.constant dense<2147483647> : vector<1024xi32>
    %reduce_min3A_124 = vector.multi_reduction <minsi>, %select_n3A_122, %reduce_min3A_123 [1] : vector<1024x2048xi32> to vector<1024xi32>
    %lt3A_125 = arith.cmpf olt, %reduce_min3A_112, %bitcast_convert_type3A_108 : vector<1024xf32>
    %eq3A_126 = arith.cmpf oeq, %reduce_min3A_112, %bitcast_convert_type3A_108 : vector<1024xf32>
    %lt3A_127 = arith.cmpi slt, %reduce_min3A_124, %select_n3A_109 : vector<1024xi32>
    %and3A_128 = arith.andi %eq3A_126, %lt3A_127 : vector<1024xi1>
    %or3A_129 = arith.ori %lt3A_125, %and3A_128 : vector<1024xi1>
    %select_n3A_130 = arith.select %or3A_129, %reduce_min3A_124, %select_n3A_109 : vector<1024xi1>, vector<1024xi32>
    %swap3A = arith.constant 0 : index
    %swap3A_131 = arith.constant 0 : index
    %swap3A_132 = arith.constant 0 : index
    %swap3A_133 = vector.load %arg5[%swap3A, %swap3A_131, %swap3A_132] : memref<1x1x1024xi32, #tpu.memory_space<vmem>>, vector<1x1x1024xi32>
    %swap3A_134 = vector.shape_cast %swap3A_133 : vector<1x1x1024xi32> to vector<1024xi32>
    %swap3A_135 = vector.shape_cast %select_n3A_130 : vector<1024xi32> to vector<1x1x1024xi32>
    tpu.vector_store %arg5[%swap3A, %swap3A_131, %swap3A_132], %swap3A_135 {strides = array<i32>} : memref<1x1x1024xi32, #tpu.memory_space<vmem>>, vector<1x1x1024xi32>,
    return
  }
  func.func @transform_0(%arg0: i32) -> (i32, i32) {
    %c0_i32 = arith.constant 0 : i32
    %c0_i32_0 = arith.constant 0 : i32
    return %arg0, %c0_i32 : i32, i32
  }
  func.func @transform_1(%arg0: i32) -> (i32, i32) {
    %c0_i32 = arith.constant 0 : i32
    %c0_i32_0 = arith.constant 0 : i32
    %c0_i32_1 = arith.constant 0 : i32
    return %c0_i32, %c0_i32_0 : i32, i32
  }
  func.func @transform_2(%arg0: i32) -> (i32, i32) {
    %c0_i32 = arith.constant 0 : i32
    %c0_i32_0 = arith.constant 0 : i32
    return %arg0, %c0_i32 : i32, i32
  }
  func.func @transform_3(%arg0: i32) -> (i32, i32) {
    %c0_i32 = arith.constant 0 : i32
    %c0_i32_0 = arith.constant 0 : i32
    %c0_i32_1 = arith.constant 0 : i32
    return %c0_i32, %c0_i32_0 : i32, i32
  }
  func.func @transform_4(%arg0: i32) -> (i32, i32, i32) {
    %c0_i32 = arith.constant 0 : i32
    %c0_i32_0 = arith.constant 0 : i32
    %c0_i32_1 = arith.constant 0 : i32
    return %arg0, %c0_i32, %c0_i32_0 : i32, i32, i32
  }
}

</mosaic_0001>

<sc_bundles>
// kernel: kernel.4.cloned.1.call-start
scs
__scs_entry_jumppad:
0x0: {  	(pc) =	sbr.rel $0x88, $3  }
0x1: {  	(tag) =	ssettag $0x0;
	lr =	simm.s32 $0x1  }
0x2: {  	[smem:$0x3F9F] =	sst lr;
	_ =	strace $0xD0000000  }
0x3: {  	_ = 	snop  }
0x4: {  	_ = 	snop  }
0x5: {  	_ = 	snop  }
0x6: {  	_ = 	snop  }
0x7: {  	_ = 	snop  }
__scs_overlays_trampoline_lowered:
0x8: {  	[smem:$0x3FAE] =	sst s0  }
0x9: {  	[smem:$0x3FAF] =	sst s1  }
0xa: {  	[smem:$0x3FB0] =	sst s2  }
0xb: {  	[smem:$0x3FB1] =	sst s3  }
0xc: {  	[smem:$0x3FB2] =	sst s4  }
0xd: {  	[smem:$0x3FB3] =	sst s5  }
0xe: {  	[smem:$0x3FB4] =	sst s6  }
0xf: {  	[smem:$0x3FB5] =	sst s7  }
0x10: {  	[smem:$0x3FB6] =	sst s8  }
0x11: {  	[smem:$0x3FB7] =	sst s9;
	s0 =	simm.s32 @!p0 $0x0  }
0x12: {  	s1 =	sld [smem:$0x3F9D];
	s0 =	simm.s32 @p0 $0x1  }
0x13: {  	[smem:$0x3FB8] =	sst s0;
	s0 =	simm.s32 @!p1 $0x0  }
0x14: {  	s2 =	sld [smem:$0x3F9C];
	s0 =	simm.s32 @p1 $0x1  }
0x15: {  	[smem:$0x3FB9] =	sst s0;
	s0 =	simm.s32 @!p2 $0x0  }
0x16: {  	s3 =	sld [smem:$0x3FDB];
	s0 =	simm.s32 @p2 $0x1  }
0x17: {  	s4 =	simm.s32 $0x1BF5;
	[smem:$0x3FBB] =	sst s0  }
0x18: {  	s0 =	sld [smem:$0x3F9E];
	_ =	swait.ge [sflag:s4], $0x0  }
0x19: {  	s7 =	sld [smem:$0x3F9F]  }
0x1a: {  	s8 =	sadd.s32 $0xFFFFE003, lr  }
0x1b: {  	s9 =	sadd.s32 $0xFFFFFEF7, lr;
	s5 =	simm.s32 $0xFFFFFFFF;
	p2 =	slt.u32 s8, $0xFFFFF086  }
0x1c: {  	p1 =	slt.u32 s9, $0xF7A;
	s5 =	simm.s32 @!p2 $0x0  }
0x1d: {  	s5 =	simm.s32 @p1 $0x1;
	p0 =	seq.s32 s7, s2  }
0x1e: {  	s7 =	smul.u32 @!p0 $0xF7A, s2;
	p2 =	seq.s32 @!p0 s5, $0x0  }
0x1f: {  	s9 =	smul.u32 $0xF7A, s1;
	s8 =	simm.s32 @!p0 $0x1BF5;
	p2 =	por !p2, p0  }
0x20: {  	[sflag:s8] =	ssyncset.s32 @!p0 $0xFFFFF086;
	s6 =	sadd.s32 @!p0 s3, s7;
	s7 =	simm.s32 @!p0 $0x108  }
0x21: {  	s3 =	sadd.s32 s3, s9;
	s6 =	sadd.s32 @!p0 $0x88, s6;
	s7 =	simm.s32 @p2 $0x1082  }
0x22: {  	[simem:s7], [sflag:s8] =	dma.local @!p0 [hbm:s6], $0xF7A  }
0x23: {  	s9 =	sor.u32 $0xD0000000, s2;
	s6 =	simm.s32 $0x108;
	_ =	swait.ge @!p0 [sflag:s8], $0x0  }
0x24: {  	s3 =	sadd.s32 $0x88, s3;
	s6 =	simm.s32 @!p1 $0x1082;
	[sflag:s4] =	ssyncset.s32 $0xFFFFF086  }
0x25: {  	[simem:s6], [sflag:s4] =	dma.local [hbm:s3], $0xF7A  }
0x26: {  	[smem:$0x3F9F] =	sst s1;
	(tag) =	ssettag s2;
	_ =	strace s9  }
0x27: {  	s1 =	sld [smem:$0x3FAF]  }
0x28: {  	s2 =	sld [smem:$0x3FB0]  }
0x29: {  	s4 =	sld [smem:$0x3FB2]  }
0x2a: {  	p0 =	seq.s32 s5, $0x0;
	s5 =	sld [smem:$0x3FB3]  }
0x2b: {  	s6 =	sld [smem:$0x3FB4]  }
0x2c: {  	s7 =	sld [smem:$0x3FB5]  }
0x2d: {  	s3 =	simm.s32 $0x108;
	s8 =	sld [smem:$0x3FB6]  }
0x2e: {  	s3 =	simm.s32 @!p0 $0x1082;
	s9 =	sld [smem:$0x3FB7]  }
0x2f: {  	lr =	sadd.s32 s0, s3;
	s0 =	sld [smem:$0x3FAE]  }
0x30: {  	s3 =	sld [smem:$0x3FB1]  }
0x31: {  	[smem:$0x3FBA] =	sst s10  }
0x32: {  	s10 =	sld [smem:$0x3FB8];
	_ =	sdelay $0x3  }
0x33: {  	p0 =	seq.s32 s10, $0x1;
	s10 =	sld [smem:$0x3FBA];
	_ =	sdelay $0x3  }
0x34: {  	[smem:$0x3FBA] =	sst s10  }
0x35: {  	s10 =	sld [smem:$0x3FB9];
	_ =	sdelay $0x3  }
0x36: {  	p1 =	seq.s32 s10, $0x1;
	s10 =	sld [smem:$0x3FBA];
	_ =	sdelay $0x3  }
0x37: {  	[smem:$0x3FBA] =	sst s10  }
0x38: {  	s10 =	sld [smem:$0x3FBB]  }
0x39: {  	_ = 	snop;
	(pc) =	sbr.ind lr, $3  }
0x3a: {  	_ = 	snop  }
0x3b: {  	_ = 	snop  }
0x3c: {  	p2 =	seq.s32 s10, $0x1;
	s10 =	sld [smem:$0x3FBA]  }
0x3d: {  	_ =	shalt  }
0x3e: {  	_ =	shalt  }
0x3f: {  	_ =	shalt  }
0x40: {  	_ =	shalt  }
0x41: {  	_ =	shalt  }
0x42: {  	_ =	shalt  }
0x43: {  	_ =	shalt  }
0x44: {  	_ =	shalt  }
0x45: {  	_ =	shalt  }
0x46: {  	_ =	shalt  }
0x47: {  	_ =	shalt  }
0x48: {  	_ =	shalt  }
0x49: {  	_ =	shalt  }
0x4a: {  	_ =	shalt  }
0x4b: {  	_ =	shalt  }
0x4c: {  	_ =	shalt  }
0x4d: {  	_ =	shalt  }
0x4e: {  	_ =	shalt  }
0x4f: {  	_ =	shalt  }
0x50: {  	_ =	shalt  }
0x51: {  	_ =	shalt  }
0x52: {  	_ =	shalt  }
0x53: {  	_ =	shalt  }
0x54: {  	_ =	shalt  }
0x55: {  	_ =	shalt  }
0x56: {  	_ =	shalt  }
0x57: {  	_ =	shalt  }
0x58: {  	_ =	shalt  }
0x59: {  	_ =	shalt  }
0x5a: {  	_ =	shalt  }
0x5b: {  	_ =	shalt  }
0x5c: {  	_ =	shalt  }
0x5d: {  	_ =	shalt  }
0x5e: {  	_ =	shalt  }
0x5f: {  	_ =	shalt  }
0x60: {  	_ =	shalt  }
0x61: {  	_ =	shalt  }
0x62: {  	_ =	shalt  }
0x63: {  	_ =	shalt  }
0x64: {  	_ =	shalt  }
0x65: {  	_ =	shalt  }
0x66: {  	_ =	shalt  }
0x67: {  	_ =	shalt  }
0x68: {  	_ =	shalt  }
0x69: {  	_ =	shalt  }
0x6a: {  	_ =	shalt  }
0x6b: {  	_ =	shalt  }
0x6c: {  	_ =	shalt  }
0x6d: {  	_ =	shalt  }
0x6e: {  	_ =	shalt  }
0x6f: {  	_ =	shalt  }
0x70: {  	_ =	shalt  }
0x71: {  	_ =	shalt  }
0x72: {  	_ =	shalt  }
0x73: {  	_ =	shalt  }
0x74: {  	_ =	shalt  }
0x75: {  	_ =	shalt  }
0x76: {  	_ =	shalt  }
0x77: {  	_ =	shalt  }
0x78: {  	_ =	shalt  }
0x79: {  	_ =	shalt  }
0x7a: {  	_ =	shalt  }
0x7b: {  	_ =	shalt  }
0x7c: {  	_ =	shalt  }
0x7d: {  	_ =	shalt  }
0x7e: {  	_ =	shalt  }
0x7f: {  	_ =	shalt  }
0x80: {  	_ =	shalt  }
0x81: {  	_ =	shalt  }
0x82: {  	_ =	shalt  }
0x83: {  	_ =	shalt  }
0x84: {  	_ =	shalt  }
0x85: {  	_ =	shalt  }
0x86: {  	_ =	shalt  }
0x87: {  	_ =	shalt  }
.Lfunc_end0:
.L_simem_size_0:
called_computation_lowered:
.L_overlay_start_0:
0x88: {  	s2 =	sld [smem:$0x3FD9]  }
0x89: {  	s3 =	sld [smem:$0x3FFE];
	_ =	sdelay $0x1  }
0x8a: {  	s1 =	srdreg.scid  }
0x8b: {  	s0 =	sand.u32 $0x1, s1  }
0x8c: {  	s14 =	sshll.u32 s0, $0xA;
	s2 =	sadd.s32 s3, s2  }
0x8d: {  	s2 =	sadd.s32 s2, s14  }
0x8e: {  	[smem:$0x3FC6] =	sst s2  }
0x8f: {  	_ = 	snop  }
0x90: {  	s2 =	sld [smem:$0x3FD0];
	_ =	sdelay $0x2  }
0x91: {  	s15 =	simm.s32 $0xA;
	s4 =	simm.s32 $0x10  }
0x92: {  	[smem:s4], [sflag:s15] =	dma.local [hbm:s2], $0x1  }
0x93: {  	_ =	swait.eq [sflag:s15], $0x1  }
0x94: {  	[sflag:s15] =	ssyncset.done $0x0  }
0x95: {  	s16 =	sld [smem:$0x10];
	[sflag:s15] =	ssyncadd.s32 $0xFFFFFFFF  }
0x96: {  	s17 =	sld [smem:$0x11];
	(tm) =	ssettm $0x1  }
0x97: {  	s18 =	sld [smem:$0x3FFB];
	_ =	sdelay $0x3  }
0x98: {  	_ =	strace s18  }
0x99: {  	s4 =	sld [smem:$0x3FFC];
	_ =	sdelay $0x3  }
0x9a: {  	_ =	strace s4  }
0x9b: {  	s4 =	sld [smem:$0x3FFD];
	_ =	sdelay $0x3  }
0x9c: {  	_ =	strace s4  }
0x9d: {  	_ =	strace $0x8FFFFFFF  }
0x9e: {  	s19 =	sld [smem:$0x3FDB];
	_ =	sdelay $0x1  }
0x9f: {  	s5 =	simm.s32 $_scs_section_size  }
0xa0: {  	s6 =	simm.s32 $_size__tile_overlayer_lowered;
	s7 =	simm.s32 $_tile_overlayer_lowered  }
0xa1: {  	s22 =	simm.s32 $0x1BFF;
	s21 =	sshll.u32 s7, $0x1;
	s4 =	sadd.s32 s5, s19  }
0xa2: {  	s8 =	simm.s32 $0x0;
	s20 =	sshll.u32 s6, $0x1;
	s6 =	sadd.s32 s21, s4  }
0xa3: {  	[timem:s8], [sflag:s22] =	dma.local [hbm:s6], s20  }
0xa4: {  	_ =	swait.ge [sflag:s22], s20  }
0xa5: {  	s5 =	ssub.s32 $0x0, s20;
	[sflag:s22] =	ssyncset.done $0x0  }
0xa6: {  	[sflag:s22] =	ssyncadd.s32 s5;
	_ =	sdelay $0x1  }
0xa7: {  	s23 =	simm.s32 $0x1B8B  }
0xa8: {  	_ =	swait.ge [sflag:s23], $0x1  }
0xa9: {  	[sflag:s23] =	ssyncset.done $0x0  }
0xaa: {  	s25 =	simm.s32 $0x1B8E;
	s24 =	sld [smem:$0x3FFE];
	[sflag:s23] =	ssyncadd.s32 $0xFFFFFFFF  }
0xab: {  	s26 =	simm.s32 $execute0_lowered;
	[smem:$0x3FD2] =	sst s25  }
0xac: {  	s6 =	sshll.u32 s26, $0x1;
	_ =	strace $0x80000046;
	[dreg:$0x1] =	wrdreg $0xFFFFFFFF  }
0xad: {  	s28 =	simm.s32 $_size_execute0_lowered;
	s4 =	sadd.s32 s4, s6;
	[dreg:$0x0] =	wrdreg $0x0  }
0xae: {  	s6 =	sshll.u32 s28, $0x1;
	[dreg:$0x2] =	wrdreg s4  }
0xaf: {  	[dreg:$0x3] =	wrdreg s6  }
0xb0: {  	[dreg:$0x4] =	wrdreg $0xC0  }
0xb1: {  	_ =	task [dreg:s8], $0x5FFFF  }
0xb2: {  	[dreg:$0x1] =	wrdreg $0xFFFFFFFF  }
0xb3: {  	[dreg:$0x0] =	wrdreg $0x60  }
0xb4: {  	[dreg:$0x2] =	wrdreg s17  }
0xb5: {  	[dreg:$0x3] =	wrdreg s24  }
0xb6: {  	[dreg:$0x4] =	wrdreg s16  }
0xb7: {  	[dreg:$0x5] =	wrdreg $0x9  }
0xb8: {  	_ =	task.clear_ibuf [dreg:s8], $0x6FFFF;
	_ =	strace $0x90000046  }
0xb9: {  	s29 =	simm.s32 $0x9;
	_ =	strace $0x80000048  }
0xba: {  	_ =	swait.ge [sflag:s29], $0x1  }
0xbb: {  	[sflag:s29] =	ssyncadd.s32 $0xFFFFFFFF  }
0xbc: {  	_ =	strace $0x90000048  }
0xbd: {  	_ =	sfence  }
0xbe: {  	s30 =	sld [smem:$0x0];
	_ =	sdelay $0x2  }
0xbf: {  	s31 =	sshll.u32 s1, $0xD;
	s1 =	sshrl.u32 s1, $0x2  }
0xc0: {  	s3 =	sand.u32 $0x4000, s31;
	s1 =	sadd.s32 s1, s30  }
0xc1: {  	s0 =	sor.u32 s3, s0;
	s1 =	sshll.u32 s1, $0x11  }
0xc2: {  	s0 =	sor.u32 s1, s0  }
0xc3: {  	s0 =	sadd.s32 $0x8F2B, s0  }
0xc4: {  	[sflag:s0] =	ssyncadd.remote.s32 $0x1  }
0xc5: {  	_ =	sfence.sel $0xFFFF  }
0xc6: {  	[dreg:$0x0] =	wrdreg $0xFFFFFFFF;
	(pc) =	sbr.abs _section_cstart, $3  }
0xc7: {  	[dreg:$0x1] =	wrdreg $0xFFFFFFFF  }
0xc8: {  	_ =	task.clear_ibuf [dreg:s8], $0x2FFFF;
	_ =	strace $0x9FFFFFFF  }
0xc9: {  	(tm) =	ssettm $0x7FFFFFFF  }
tec
execute0_lowered:
.L_overlay_start_1:
0x0: {  	(tag) =	ssettag $0x1  }
0x1: {  	s1 =	rddreg [dreg:$0x0];
	s2 =	srdreg.scid  }
0x2: {  	s4 =	rddreg [dreg:$0x1];
	s0 =	stileid.u32;
	s10 =	sand.u32 $0x1, s2  }
0x3: {  	s11 =	rddreg [dreg:$0x2];
	s5 =	sshll.u32 s0, $0x9;
	s6 =	sshll.u32 s10, $0x8  }
0x4: {  	s3 =	simm.s32 $0x0;
	s2 =	rddreg [dreg:$0x3];
	s9 =	sor.u32 s6, s5  }
0x5: {  	[smem:$0x7FF] =	sst s3;
	s12 =	sadd.s32 $0x400, s4;
	s28 =	sshrl.u32 s9, $0x3  }
0x6: {  	s4 =	simm.s32 $0x2;
	_ =	strace $0x80000047;
	s5 =	sadd.s32 s12, s28  }
0x7: {  	[tilespmem:s3], [sflag:$0x2] =	stream.linear.gather [hbm4b:s5+s3], $0x80, $0x38;
	[tilespmem:$0x1080] =	vst v63  }
0x8: {  	_ =	swait.ge [sflag:s4], $0x80  }
0x9: {  	[sflag:s4] =	ssyncset.done $0x0  }
0xa: {  	s7 =	simm.s32 $0x1;
	s6 =	simm.s32 $0x80;
	[sflag:s4] =	ssyncadd.s32 $0xFFFFFF80  }
0xb: {  	[tilespmem:s6], [sflag:$0x1] =	stream.indirect.gather [hbm4b:s1+s6], $0x20, s3, s6, $0xb8;
	[tilespmem:$0x1080] =	vst v63  }
0xc: {  	_ =	swait.ge [sflag:s7], $0x1000  }
0xd: {  	s8 =	sshll.u32 s9, $0x2;
	[sflag:s7] =	ssyncset.done $0x0  }
0xe: {  	s8 =	sadd.s32 s11, s8;
	[sflag:s7] =	ssyncadd.s32 $0xFFFFF000  }
0xf: {  	[hbm4b:s8+s3] =	stream.linear.scatter [tilespmem:s6], [sflag:$0x2], $0x1000, $0x38;
	[tilespmem:$0x1080] =	vst v63  }
0x10: {  	s13 =	sor.u32 $0x80, s9;
	_ =	swait.ge [sflag:s4], $0x1000  }
0x11: {  	s9 =	sshrl.u32 s13, $0x3;
	[sflag:s4] =	ssyncset.done $0x0  }
0x12: {  	s10 =	ssub.s32 $0x2, s10;
	s9 =	sadd.s32 s12, s9;
	[sflag:s4] =	ssyncadd.s32 $0xFFFFF000  }
0x13: {  	[tilespmem:s3], [sflag:$0x2] =	stream.linear.gather [hbm4b:s9+s3], $0x80, $0x38;
	[tilespmem:$0x1080] =	vst v63  }
0x14: {  	s29 =	sshrl.u32 s10, $0x1;
	_ =	swait.ge [sflag:s4], $0x80  }
0x15: {  	s12 =	ssub.s32 s10, s29;
	[sflag:s4] =	ssyncset.done $0x0  }
0x16: {  	s31 =	smax.u32 s12, $0x1;
	[sflag:s4] =	ssyncadd.s32 $0xFFFFFF80  }
0x17: {  	[tilespmem:s6], [sflag:$0x1] =	stream.indirect.gather [hbm4b:s1+s6], $0x20, s3, s6, $0xb8;
	[tilespmem:$0x1080] =	vst v63  }
0x18: {  	p0 =	sne.s32 s31, $0x1;
	_ =	swait.ge [sflag:s7], $0x1000  }
.Ltmp0:
0x19: {  	s30 =	sshll.u32 s13, $0x2;
	[sflag:s7] =	ssyncset.done $0x0;
	(pc) =	sbr.rel @!p0 .LBB2_2-.Ltmp0, $4  }
0x1a: {  	s10 =	sadd.s32 s11, s30;
	[sflag:s7] =	ssyncadd.s32 $0xFFFFF000  }
0x1b: {  	[hbm4b:s10+s3] =	stream.linear.scatter [tilespmem:s6], [sflag:$0x2], $0x1000, $0x38;
	[tilespmem:$0x1080] =	vst v63  }
0x1c: {  	_ =	swait.ge [sflag:s4], $0x1000  }
0x1d: {  	s11 =	sadd.s32 $0xFFFFFFFF, s31;
	[sflag:s4] =	ssyncset.done $0x0  }
.LBB2_1:
0x1e: {  	p0 =	sne.s32 s11, $0x1;
	s11 =	sadd.s32 $0xFFFFFFFF, s11;
	[sflag:s4] =	ssyncadd.s32 $0xFFFFF000  }
0x1f: {  	[tilespmem:s3], [sflag:$0x2] =	stream.linear.gather [hbm4b:s5+s3], $0x80, $0x38;
	[tilespmem:$0x1080] =	vst v63  }
0x20: {  	_ =	swait.ge [sflag:s4], $0x80  }
0x21: {  	[sflag:s4] =	ssyncset.done $0x0  }
0x22: {  	[sflag:s4] =	ssyncadd.s32 $0xFFFFFF80  }
0x23: {  	[tilespmem:s6], [sflag:$0x1] =	stream.indirect.gather [hbm4b:s1+s6], $0x20, s3, s6, $0xb8;
	[tilespmem:$0x1080] =	vst v63  }
0x24: {  	_ =	swait.ge [sflag:s7], $0x1000  }
0x25: {  	[sflag:s7] =	ssyncset.done $0x0  }
0x26: {  	[sflag:s7] =	ssyncadd.s32 $0xFFFFF000  }
0x27: {  	[hbm4b:s8+s3] =	stream.linear.scatter [tilespmem:s6], [sflag:$0x2], $0x1000, $0x38;
	[tilespmem:$0x1080] =	vst v63  }
0x28: {  	_ =	swait.ge [sflag:s4], $0x1000  }
0x29: {  	[sflag:s4] =	ssyncset.done $0x0  }
0x2a: {  	[sflag:s4] =	ssyncadd.s32 $0xFFFFF000  }
0x2b: {  	[tilespmem:s3], [sflag:$0x2] =	stream.linear.gather [hbm4b:s9+s3], $0x80, $0x38;
	[tilespmem:$0x1080] =	vst v63  }
0x2c: {  	_ =	swait.ge [sflag:s4], $0x80  }
0x2d: {  	[sflag:s4] =	ssyncset.done $0x0  }
0x2e: {  	[sflag:s4] =	ssyncadd.s32 $0xFFFFFF80  }
0x2f: {  	[tilespmem:s6], [sflag:$0x1] =	stream.indirect.gather [hbm4b:s1+s6], $0x20, s3, s6, $0xb8;
	[tilespmem:$0x1080] =	vst v63  }
0x30: {  	_ =	swait.ge [sflag:s7], $0x1000  }
.Ltmp1:
0x31: {  	[sflag:s7] =	ssyncset.done $0x0;
	(pc) =	sbr.rel @p0 .LBB2_1-.Ltmp1, $4  }
0x32: {  	[sflag:s7] =	ssyncadd.s32 $0xFFFFF000  }
0x33: {  	[hbm4b:s10+s3] =	stream.linear.scatter [tilespmem:s6], [sflag:$0x2], $0x1000, $0x38;
	[tilespmem:$0x1080] =	vst v63  }
0x34: {  	_ =	swait.ge [sflag:s4], $0x1000  }
0x35: {  	[sflag:s4] =	ssyncset.done $0x0  }
.LBB2_2:
0x36: {  	[sflag:s4] =	ssyncadd.s32 $0xFFFFF000  }
0x37: {  	_ =	sfence.sel $0x180000  }
0x38: {  	[bflag:$0x0] =	sbarrier.arrive $0xFFFF  }
0x39: {  	p0 =	sne.s32 s0, $0x0;
	_ =	strace $0x90000047  }
0x3a: {  	s0 =	sadd.s32 @!p0 $0x100000, s2;
	[bflag:$0x2] =	sbarrier.arrive $0xFFFF  }
0x3b: {  	[sflag:s0] =	ssyncadd.tile.s32 @!p0 $0x1;
	_ =	shalt  }
.Lfunc_end2:
_tile_overlayer_lowered:
.L_overlay_start_2:
0x3c: {  	(tag) =	ssettag $0x2  }
0x3d: {  	s0 =	rddreg [dreg:$0x0];
	s2 =	stileid.u32  }
0x3e: {  	s1 =	rddreg [dreg:$0x1];
	p0 =	sne.s32 s2, $0x0  }
0x3f: {  	s3 =	rddreg [dreg:$0x2];
	[bflag:$0x3] =	sbarrier.arrive $0xFFFF;
	s2 =	simm.s32 @!p0 $0x1C02  }
0x40: {  	[timem:s3], [sflag:s2] =	dma.local @!p0 [hbm:s0], s1  }
0x41: {  	s0 =	simm.s32 @!p0 $0x2  }
0x42: {  	_ =	swait.ge @!p0 [sflag:s0], s1  }
0x43: {  	s1 =	ssub.s32 @!p0 $0x0, s1;
	[sflag:s0] =	ssyncset.done @!p0 $0x0  }
0x44: {  	[sflag:s0] =	ssyncadd.s32 @!p0 s1  }
0x45: {  	[bflag:$0x3] =	sbarrier.arrive $0xFFFF  }
0x46: {  	_ =	shalt  }

</sc_bundles>
